<compile_context>
chip_gen: v7x
topology: tpu7x:2x2x1
jax: 0.10.2.dev20260603
libtpu: 0.0.44.dev20260713+nightly
codegen_flags: <defaults>
</compile_context>

<pallas_src>
import functools

import jax
import jax.numpy as jnp
import numpy as np
from jax.experimental import pallas as pl

_KK = 5000
_EPS = 1e-5
_PPAD = 5120
_BLOCK = 256


def _shift_sel(hin, hout):
    S = np.zeros((3, hin, hout), np.float32)
    for d in range(3):
        for yo in range(hout):
            S[d, yo + d, yo] = 1.0
    return jnp.asarray(S)


def _conv_mat(w, hin, hout):
    O, C = w.shape[0], w.shape[1]
    S = _shift_sel(hin, hout)
    M = jnp.einsum('ocde,dyz,exw->cyxozw', w, S, S)
    return M.reshape(C * hin * hin, O * hout * hout)


def _conv_mat_up(w, hout):
    O, C = w.shape[0], w.shape[1]
    Q = np.zeros((3, 4, hout), np.float32)
    for d in range(3):
        for yo in range(hout):
            Q[d, (yo + d) // 2, yo] = 1.0
    Q = jnp.asarray(Q)
    M = jnp.einsum('ocde,dyz,exw->cyxozw', w, Q, Q)
    return M.reshape(C * 4 * 4, O * hout * hout)


def _stage_kernel(x_ref, w_ref, a_ref, c_ref, y_ref, s_ref, *, relu):
    i = pl.program_id(0)
    x = x_ref[...] * a_ref[0, :][None, :] + c_ref[0, :][None, :]
    if relu:
        x = jnp.maximum(x, 0.0)
    rid = jax.lax.broadcasted_iota(jnp.int32, x.shape, 0) + i * _BLOCK
    x = jnp.where(rid < _KK, x, 0.0)
    y = jnp.dot(x, w_ref[...], preferred_element_type=jnp.float32)
    y_ref[...] = y

    @pl.when(i == 0)
    def _():
        s_ref[...] = jnp.zeros_like(s_ref)

    s_ref[0:1, :] += jnp.sum(y, axis=0, keepdims=True)
    s_ref[1:2, :] += jnp.sum(y * y, axis=0, keepdims=True)


def _stage(x, W, a, c, relu):
    P, Cin = x.shape
    Ncols = W.shape[1]
    grid = P // _BLOCK
    y, s = pl.pallas_call(
        functools.partial(_stage_kernel, relu=relu),
        grid=(grid,),
        in_specs=[
            pl.BlockSpec((_BLOCK, Cin), lambda i: (i, 0)),
            pl.BlockSpec((Cin, Ncols), lambda i: (0, 0)),
            pl.BlockSpec((1, Cin), lambda i: (0, 0)),
            pl.BlockSpec((1, Cin), lambda i: (0, 0)),
        ],
        out_specs=[
            pl.BlockSpec((_BLOCK, Ncols), lambda i: (i, 0)),
            pl.BlockSpec((8, Ncols), lambda i: (0, 0)),
        ],
        out_shape=[
            jax.ShapeDtypeStruct((P, Ncols), jnp.float32),
            jax.ShapeDtypeStruct((8, Ncols), jnp.float32),
        ],
    )(x, W, a, c)
    return y, s


def _affine(s, g, b, O, S_sp):
    s2 = s[0:2].reshape(2, O, S_sp).sum(-1)
    count = _KK * S_sp
    m = s2[0] / count
    v = s2[1] / count - m * m
    a = g * jax.lax.rsqrt(v + _EPS)
    c = b - m * a
    return jnp.repeat(a, S_sp)[None, :], jnp.repeat(c, S_sp)[None, :]


def kernel(pha, err, hid, org_shape, w1, g1, b1, w2, g2, b2, w3, g3, b3, w4, c4b):
    B, _, Hq, Wq = err.shape
    H, W = 4 * Hq, 4 * Wq
    kk = _KK

    ef = err.reshape(B, -1)
    _, idx = jax.lax.top_k(ef, kk)
    ref = jnp.zeros_like(ef).at[jnp.arange(B)[:, None], idx].set(1.0)
    ref = (ref * (ef > 0).astype(jnp.float32)).reshape(B, 1, Hq, Wq)

    flat = idx.reshape(-1)
    ih = flat // Wq
    iw = flat % Wq
    ib = jnp.zeros((kk,), flat.dtype)

    x = jnp.concatenate([hid, pha], axis=1)
    xh = jax.image.resize(x, (B, 33, 2 * Hq, 2 * Wq), method='bilinear')
    xp = jnp.pad(xh, ((0, 0), (0, 0), (3, 3), (3, 3)))
    rows = (ih * 2)[:, None, None, None] + jnp.arange(8)[None, None, :, None]
    cols = (iw * 2)[:, None, None, None] + jnp.arange(8)[None, None, None, :]
    patches = xp[ib[:, None, None, None], jnp.arange(33)[None, :, None, None],
                 rows, cols]

    xflat = jnp.pad(patches.reshape(kk, 33 * 64), ((0, _PPAD - kk), (0, 0)))

    W1 = _conv_mat(w1, 8, 6)
    W2 = _conv_mat(w2, 6, 4)
    W3 = _conv_mat_up(w3, 6)
    W4 = _conv_mat(w4, 6, 4)
    ones = jnp.ones((1, 33 * 64), jnp.float32)
    zeros = jnp.zeros((1, 33 * 64), jnp.float32)

    y1, s1 = _stage(xflat, W1, ones, zeros, relu=False)
    a1, c1 = _affine(s1, g1, b1, 24, 36)
    y2, s2 = _stage(y1, W2, a1, c1, relu=True)
    a2, c2 = _affine(s2, g2, b2, 16, 16)
    y3, s3 = _stage(y2, W3, a2, c2, relu=True)
    a3, c3 = _affine(s3, g3, b3, 12, 36)
    y4, _ = _stage(y3, W4, a3, c3, relu=True)
    y = (y4[:kk] + c4b[0]).reshape(kk, 1, 4, 4)

    pha_full = jax.image.resize(pha, (B, 1, H, W), method='bilinear')
    p = pha_full.reshape(B, 1, H // 4, 4, W // 4, 4).transpose(0, 2, 4, 1, 3, 5)
    p = p.at[ib, ih, iw].set(y)
    pha_out = p.transpose(0, 3, 1, 4, 2, 5).reshape(B, 1, H, W)
    return (pha_out, ref)

# --- scband reference (transcript-rebuilt; emitter-appended) ---
"""Pipeline reference for scband-refiner-44289702756927 (READ-ONLY COPY).

The authoritative reference and input builder live on the scoring server;
editing this copy changes nothing except your own understanding.
"""

import jax, jax.numpy as jnp
import numpy as np

KERNEL = 3
SAMPLE_PIXELS = 80000
EPS = 1e-5


def _bilinear(x, h, w):
    return jax.image.resize(x, (x.shape[0], x.shape[1], h, w), method='bilinear')


def _bn(x, g, b):
    m = x.mean(axis=(0, 2, 3), keepdims=True)
    v = x.var(axis=(0, 2, 3), keepdims=True)
    return g[None, :, None, None] * (x - m) / jnp.sqrt(v + EPS) + b[None, :, None, None]


def _conv(x, w, b=None):
    y = jax.lax.conv_general_dilated(x, w, (1, 1), 'VALID',
                                     dimension_numbers=('NCHW', 'OIHW', 'NCHW'))
    if b is not None:
        y = y + b[None, :, None, None]
    return y


def _select_regions(err_q, sample_pixels):
    b, _, h, w = err_q.shape
    ef = err_q.reshape(b, -1)
    kk = sample_pixels // 16
    _, idx = jax.lax.top_k(ef, kk)
    ref = jnp.zeros_like(ef).at[jnp.arange(b)[:, None], idx].set(1.0)
    ref = ref * (ef > 0).astype(jnp.float32)
    return ref.reshape(b, 1, h, w), idx


def setup_inputs(seed: int = 0):
    key = jax.random.key(seed)
    k = jax.random.split(key, 8)
    B, Hc, Wc = 1, 512, 512
    return {
        'pha': jax.random.uniform(k[0], (B, 1, Hc, Wc), dtype=jnp.float32),
        'err': jax.random.uniform(k[1], (B, 1, Hc, Wc), dtype=jnp.float32),
        'hid': jax.random.normal(k[2], (B, 32, Hc, Wc), dtype=jnp.float32),
        'org_shape': (B, 3, 2048, 2048),
        'w1': jax.random.normal(k[3], (24, 33, 3, 3), dtype=jnp.float32) * 0.05,
        'g1': jnp.ones((24,), jnp.float32), 'b1': jnp.zeros((24,), jnp.float32),
        'w2': jax.random.normal(k[4], (16, 24, 3, 3), dtype=jnp.float32) * 0.05,
        'g2': jnp.ones((16,), jnp.float32), 'b2': jnp.zeros((16,), jnp.float32),
        'w3': jax.random.normal(k[5], (12, 16, 3, 3), dtype=jnp.float32) * 0.05,
        'g3': jnp.ones((12,), jnp.float32), 'b3': jnp.zeros((12,), jnp.float32),
        'w4': jax.random.normal(k[6], (1, 12, 3, 3), dtype=jnp.float32) * 0.05,
        'c4b': jnp.zeros((1,), jnp.float32),
    }


def reference(pha, err, hid, org_shape, w1, g1, b1, w2, g2, b2, w3, g3, b3, w4, c4b):
    H, W = 4 * err.shape[2], 4 * err.shape[3]
    Hh, Wh = H // 2, W // 2
    Hq, Wq = H // 4, W // 4
    # select_refinement_regions (mode='sampling')
    err_q = _bilinear(err, Hq, Wq)
    ref, idx = _select_regions(err_q, SAMPLE_PIXELS)
    Bn = ref.shape[0]
    kk = idx.shape[1]
    ib = jnp.repeat(jnp.arange(Bn), kk)
    flat = idx.reshape(-1)
    ih = flat // Wq
    iw = flat % Wq
    # crop patches from half-res hidden+alpha
    x = jnp.concatenate([hid, pha], axis=1)
    x = _bilinear(x, Hh, Wh)
    pad = KERNEL
    xp = jnp.pad(x, ((0, 0), (0, 0), (pad, pad), (pad, pad)))
    size = 2
    win = size + 2 * pad  # 8
    C = xp.shape[1]
    rows = (ih * size)[:, None, None, None] + jnp.arange(win)[None, None, :, None]
    cols = (iw * size)[:, None, None, None] + jnp.arange(win)[None, None, None, :]
    patches = xp[ib[:, None, None, None], jnp.arange(C)[None, :, None, None], rows, cols]
    k1 = patches.shape[-1]
    y = jax.nn.relu(_bn(_conv(patches, w1), g1, b1))
    y = jax.nn.relu(_bn(_conv(y, w2), g2, b2))
    y = jax.image.resize(y, (y.shape[0], y.shape[1], k1, k1), method='nearest')
    y = jax.nn.relu(_bn(_conv(y, w3), g3, b3))
    y = _conv(y, w4, c4b)  # (P, 1, 4, 4)
    # replace patches into full-res alpha (scatter_nd)
    pha_full = _bilinear(pha, H, W)
    B = pha_full.shape[0]
    yH, yW = y.shape[2], y.shape[3]
    p = pha_full.reshape(B, 1, H // yH, yH, W // yW, yW).transpose(0, 2, 4, 1, 3, 5)
    p = p.at[ib, ih, iw].set(y)
    pha_out = p.transpose(0, 3, 1, 4, 2, 5).reshape(B, 1, H, W)
    org_dep = (jnp.asarray(org_shape[0]) + jnp.asarray(org_shape[1])
               + jnp.asarray(org_shape[2]) + jnp.asarray(org_shape[3])) * 0
    pha_out = pha_out + org_dep.astype(pha_out.dtype)
    return (pha_out, ref)

if __name__ == "__main__":
    import jax
    _d = setup_inputs()
    print(jax.jit(kernel)(*tuple(_d.values())))

</pallas_src>

<mosaic_0001>
module attributes {stable_mosaic.version = 14 : i64} {
  func.func @_stage_kernel(%arg0: i32, %arg1: memref<256x2112xf32, #tpu.memory_space<vmem>>, %arg2: memref<2112x864xf32, #tpu.memory_space<vmem>>, %arg3: memref<1x2112xf32, #tpu.memory_space<vmem>>, %arg4: memref<1x2112xf32, #tpu.memory_space<vmem>>, %arg5: memref<256x864xf32, #tpu.memory_space<vmem>>, %arg6: memref<8x864xf32, #tpu.memory_space<vmem>>) attributes {dimension_semantics = [#tpu.dimension_semantics<arbitrary>], iteration_bounds = array<i64: 20>, scalar_prefetch = 0 : i64, scratch_operands = 0 : i64, tpu.core_type = #tpu.core_type<tc>, window_params = [{transform_indices = @transform_0, window_bounds = array<i64: 256, 2112>}, {pipeline_mode = #tpu.pipeline_mode<synchronous>, transform_indices = @transform_1, window_bounds = array<i64: 2112, 864>}, {pipeline_mode = #tpu.pipeline_mode<synchronous>, transform_indices = @transform_2, window_bounds = array<i64: 1, 2112>}, {pipeline_mode = #tpu.pipeline_mode<synchronous>, transform_indices = @transform_3, window_bounds = array<i64: 1, 2112>}, {transform_indices = @transform_4, window_bounds = array<i64: 256, 864>}, {pipeline_mode = #tpu.pipeline_mode<synchronous>, transform_indices = @transform_5, window_bounds = array<i64: 8, 864>}]} {
    %get3A = arith.constant 0 : index
    %get3A_0 = arith.constant 0 : index
    %get3A_1 = vector.load %arg1[%get3A, %get3A_0] : memref<256x2112xf32, #tpu.memory_space<vmem>>, vector<256x2112xf32>
    %get3A_2 = arith.constant 0 : index
    %get3A_3 = arith.constant 0 : index
    %get3A_4 = vector.load %arg3[%get3A_2, %get3A_3] : memref<1x2112xf32, #tpu.memory_space<vmem>>, vector<1x2112xf32>
    %get3A_5 = vector.shape_cast %get3A_4 : vector<1x2112xf32> to vector<2112xf32>
    %broadcast_in_dim3A = vector.shape_cast %get3A_5 : vector<2112xf32> to vector<1x2112xf32>
    %mul3A = vector.broadcast %broadcast_in_dim3A : vector<1x2112xf32> to vector<256x2112xf32>
    %mul3A_6 = arith.mulf %get3A_1, %mul3A : vector<256x2112xf32>
    %get3A_7 = arith.constant 0 : index
    %get3A_8 = arith.constant 0 : index
    %get3A_9 = vector.load %arg4[%get3A_7, %get3A_8] : memref<1x2112xf32, #tpu.memory_space<vmem>>, vector<1x2112xf32>
    %get3A_10 = vector.shape_cast %get3A_9 : vector<1x2112xf32> to vector<2112xf32>
    %broadcast_in_dim3A_11 = vector.shape_cast %get3A_10 : vector<2112xf32> to vector<1x2112xf32>
    %add3A = vector.broadcast %broadcast_in_dim3A_11 : vector<1x2112xf32> to vector<256x2112xf32>
    %add3A_12 = arith.addf %mul3A_6, %add3A : vector<256x2112xf32>
    %iota3A = tpu.iota {dimensions = array<i32: 0>} : vector<256x2112xi32>
    %mul3A_13 = arith.constant 256 : i32
    %mul3A_14 = arith.muli %arg0, %mul3A_13 : i32
    %add3A_15 = vector.broadcast %mul3A_14 : i32 to vector<256x2112xi32>
    %add3A_16 = arith.addi %iota3A, %add3A_15 : vector<256x2112xi32>
    %lt3A = arith.constant 5000 : i32
    %lt3A_17 = vector.broadcast %lt3A : i32 to vector<256x2112xi32>
    %lt3A_18 = arith.cmpi slt, %add3A_16, %lt3A_17 : vector<256x2112xi32>
    %jit3A = arith.constant 0.000000e+00 : f32
    %broadcast_in_dim3A_19 = vector.broadcast %jit3A : f32 to vector<256x2112xf32>
    %select_n3A = arith.select %lt3A_18, %add3A_12, %broadcast_in_dim3A_19 : vector<256x2112xi1>, vector<256x2112xf32>
    %get3A_20 = arith.constant 0 : index
    %get3A_21 = arith.constant 0 : index
    %get3A_22 = vector.load %arg2[%get3A_20, %get3A_21] : memref<2112x864xf32, #tpu.memory_space<vmem>>, vector<2112x864xf32>
    %dot_general3A = arith.constant dense<0.000000e+00> : vector<256x864xf32>
    %dot_general3A_23 = tpu.matmul %select_n3A, %get3A_22, %dot_general3A {dimension_numbers = #tpu.dot_dimension_numbers<[1], [0], [0], [1], [0, 0, 1, 1], [], []>, transpose_lhs_hint = false} : vector<256x2112xf32>, vector<2112x864xf32>, vector<256x864xf32> -> vector<256x864xf32>
    %swap3A = arith.constant 0 : index
    %swap3A_24 = arith.constant 0 : index
    %swap3A_25 = vector.load %arg5[%swap3A, %swap3A_24] : memref<256x864xf32, #tpu.memory_space<vmem>>, vector<256x864xf32>
    tpu.vector_store %arg5[%swap3A, %swap3A_24], %dot_general3A_23 {strides = array<i32>} : memref<256x864xf32, #tpu.memory_space<vmem>>, vector<256x864xf32>,
    %eq3A = arith.constant 0 : i32
    %eq3A_26 = arith.cmpi eq, %arg0, %eq3A : i32
    %convert_element_type3A = arith.extui %eq3A_26 : i1 to i32
    %cond3A = arith.constant 0 : i32
    %cond3A_27 = arith.cmpi ne, %convert_element_type3A, %cond3A : i32
    scf.if %cond3A_27 {
      %broadcast_in_dim3A_48 = arith.constant 0.000000e+00 : f32
      %broadcast_in_dim3A_49 = vector.broadcast %broadcast_in_dim3A_48 : f32 to vector<8x864xf32>
      %swap3A_50 = arith.constant 0 : index
      %swap3A_51 = arith.constant 0 : index
      %swap3A_52 = vector.load %arg6[%swap3A_50, %swap3A_51] : memref<8x864xf32, #tpu.memory_space<vmem>>, vector<8x864xf32>
      tpu.vector_store %arg6[%swap3A_50, %swap3A_51], %broadcast_in_dim3A_49 {strides = array<i32>} : memref<8x864xf32, #tpu.memory_space<vmem>>, vector<8x864xf32>,
    } else {
    }
    %get3A_28 = arith.constant 0 : index
    %get3A_29 = arith.constant 0 : index
    %get3A_30 = vector.load %arg6[%get3A_28, %get3A_29] : memref<8x864xf32, #tpu.memory_space<vmem>>, vector<1x864xf32>
    %reduce_sum3A = arith.constant dense<0.000000e+00> : vector<864xf32>
    %reduce_sum3A_31 = vector.multi_reduction <add>, %dot_general3A_23, %reduce_sum3A [0] : vector<256x864xf32> to vector<864xf32>
    %broadcast_in_dim3A_32 = vector.shape_cast %reduce_sum3A_31 : vector<864xf32> to vector<1x864xf32>
    %add3A_33 = arith.addf %get3A_30, %broadcast_in_dim3A_32 : vector<1x864xf32>
    %swap3A_34 = arith.constant 0 : index
    %swap3A_35 = arith.constant 0 : index
    %swap3A_36 = vector.load %arg6[%swap3A_34, %swap3A_35] : memref<8x864xf32, #tpu.memory_space<vmem>>, vector<1x864xf32>
    tpu.vector_store %arg6[%swap3A_34, %swap3A_35], %add3A_33 {strides = array<i32>} : memref<8x864xf32, #tpu.memory_space<vmem>>, vector<1x864xf32>,
    %get3A_37 = arith.constant 1 : index
    %get3A_38 = arith.constant 0 : index
    %get3A_39 = vector.load %arg6[%get3A_37, %get3A_38] : memref<8x864xf32, #tpu.memory_space<vmem>>, vector<1x864xf32>
    %mul3A_40 = arith.mulf %dot_general3A_23, %dot_general3A_23 : vector<256x864xf32>
    %reduce_sum3A_41 = arith.constant dense<0.000000e+00> : vector<864xf32>
    %reduce_sum3A_42 = vector.multi_reduction <add>, %mul3A_40, %reduce_sum3A_41 [0] : vector<256x864xf32> to vector<864xf32>
    %broadcast_in_dim3A_43 = vector.shape_cast %reduce_sum3A_42 : vector<864xf32> to vector<1x864xf32>
    %add3A_44 = arith.addf %get3A_39, %broadcast_in_dim3A_43 : vector<1x864xf32>
    %swap3A_45 = arith.constant 1 : index
    %swap3A_46 = arith.constant 0 : index
    %swap3A_47 = vector.load %arg6[%swap3A_45, %swap3A_46] : memref<8x864xf32, #tpu.memory_space<vmem>>, vector<1x864xf32>
    tpu.vector_store %arg6[%swap3A_45, %swap3A_46], %add3A_44 {strides = array<i32>} : memref<8x864xf32, #tpu.memory_space<vmem>>, vector<1x864xf32>,
    return
  }
  func.func @transform_0(%arg0: i32) -> (i32, i32) {
    %c0_i32 = arith.constant 0 : i32
    %c0_i32_0 = arith.constant 0 : i32
    return %arg0, %c0_i32 : i32, i32
  }
  func.func @transform_1(%arg0: i32) -> (i32, i32) {
    %c0_i32 = arith.constant 0 : i32
    %c0_i32_0 = arith.constant 0 : i32
    %c0_i32_1 = arith.constant 0 : i32
    return %c0_i32, %c0_i32_0 : i32, i32
  }
  func.func @transform_2(%arg0: i32) -> (i32, i32) {
    %c0_i32 = arith.constant 0 : i32
    %c0_i32_0 = arith.constant 0 : i32
    %c0_i32_1 = arith.constant 0 : i32
    return %c0_i32, %c0_i32_0 : i32, i32
  }
  func.func @transform_3(%arg0: i32) -> (i32, i32) {
    %c0_i32 = arith.constant 0 : i32
    %c0_i32_0 = arith.constant 0 : i32
    %c0_i32_1 = arith.constant 0 : i32
    return %c0_i32, %c0_i32_0 : i32, i32
  }
  func.func @transform_4(%arg0: i32) -> (i32, i32) {
    %c0_i32 = arith.constant 0 : i32
    %c0_i32_0 = arith.constant 0 : i32
    return %arg0, %c0_i32 : i32, i32
  }
  func.func @transform_5(%arg0: i32) -> (i32, i32) {
    %c0_i32 = arith.constant 0 : i32
    %c0_i32_0 = arith.constant 0 : i32
    %c0_i32_1 = arith.constant 0 : i32
    return %c0_i32, %c0_i32_0 : i32, i32
  }
}

module attributes {stable_mosaic.version = 14 : i64} {
  func.func @_stage_kernel(%arg0: i32, %arg1: memref<256x864xf32, #tpu.memory_space<vmem>>, %arg2: memref<864x256xf32, #tpu.memory_space<vmem>>, %arg3: memref<1x864xf32, #tpu.memory_space<vmem>>, %arg4: memref<1x864xf32, #tpu.memory_space<vmem>>, %arg5: memref<256x256xf32, #tpu.memory_space<vmem>>, %arg6: memref<8x256xf32, #tpu.memory_space<vmem>>) attributes {dimension_semantics = [#tpu.dimension_semantics<arbitrary>], iteration_bounds = array<i64: 20>, scalar_prefetch = 0 : i64, scratch_operands = 0 : i64, tpu.core_type = #tpu.core_type<tc>, window_params = [{transform_indices = @transform_0, window_bounds = array<i64: 256, 864>}, {pipeline_mode = #tpu.pipeline_mode<synchronous>, transform_indices = @transform_1, window_bounds = array<i64: 864, 256>}, {pipeline_mode = #tpu.pipeline_mode<synchronous>, transform_indices = @transform_2, window_bounds = array<i64: 1, 864>}, {pipeline_mode = #tpu.pipeline_mode<synchronous>, transform_indices = @transform_3, window_bounds = array<i64: 1, 864>}, {transform_indices = @transform_4, window_bounds = array<i64: 256, 256>}, {pipeline_mode = #tpu.pipeline_mode<synchronous>, transform_indices = @transform_5, window_bounds = array<i64: 8, 256>}]} {
    %get3A = arith.constant 0 : index
    %get3A_0 = arith.constant 0 : index
    %get3A_1 = vector.load %arg1[%get3A, %get3A_0] : memref<256x864xf32, #tpu.memory_space<vmem>>, vector<256x864xf32>
    %get3A_2 = arith.constant 0 : index
    %get3A_3 = arith.constant 0 : index
    %get3A_4 = vector.load %arg3[%get3A_2, %get3A_3] : memref<1x864xf32, #tpu.memory_space<vmem>>, vector<1x864xf32>
    %get3A_5 = vector.shape_cast %get3A_4 : vector<1x864xf32> to vector<864xf32>
    %broadcast_in_dim3A = vector.shape_cast %get3A_5 : vector<864xf32> to vector<1x864xf32>
    %mul3A = vector.broadcast %broadcast_in_dim3A : vector<1x864xf32> to vector<256x864xf32>
    %mul3A_6 = arith.mulf %get3A_1, %mul3A : vector<256x864xf32>
    %get3A_7 = arith.constant 0 : index
    %get3A_8 = arith.constant 0 : index
    %get3A_9 = vector.load %arg4[%get3A_7, %get3A_8] : memref<1x864xf32, #tpu.memory_space<vmem>>, vector<1x864xf32>
    %get3A_10 = vector.shape_cast %get3A_9 : vector<1x864xf32> to vector<864xf32>
    %broadcast_in_dim3A_11 = vector.shape_cast %get3A_10 : vector<864xf32> to vector<1x864xf32>
    %add3A = vector.broadcast %broadcast_in_dim3A_11 : vector<1x864xf32> to vector<256x864xf32>
    %add3A_12 = arith.addf %mul3A_6, %add3A : vector<256x864xf32>
    %max3A = arith.constant 0.000000e+00 : f32
    %max3A_13 = vector.broadcast %max3A : f32 to vector<256x864xf32>
    %max3A_14 = arith.maximumf %add3A_12, %max3A_13 : vector<256x864xf32>
    %iota3A = tpu.iota {dimensions = array<i32: 0>} : vector<256x864xi32>
    %mul3A_15 = arith.constant 256 : i32
    %mul3A_16 = arith.muli %arg0, %mul3A_15 : i32
    %add3A_17 = vector.broadcast %mul3A_16 : i32 to vector<256x864xi32>
    %add3A_18 = arith.addi %iota3A, %add3A_17 : vector<256x864xi32>
    %lt3A = arith.constant 5000 : i32
    %lt3A_19 = vector.broadcast %lt3A : i32 to vector<256x864xi32>
    %lt3A_20 = arith.cmpi slt, %add3A_18, %lt3A_19 : vector<256x864xi32>
    %jit3A = arith.constant 0.000000e+00 : f32
    %broadcast_in_dim3A_21 = vector.broadcast %jit3A : f32 to vector<256x864xf32>
    %select_n3A = arith.select %lt3A_20, %max3A_14, %broadcast_in_dim3A_21 : vector<256x864xi1>, vector<256x864xf32>
    %get3A_22 = arith.constant 0 : index
    %get3A_23 = arith.constant 0 : index
    %get3A_24 = vector.load %arg2[%get3A_22, %get3A_23] : memref<864x256xf32, #tpu.memory_space<vmem>>, vector<864x256xf32>
    %dot_general3A = arith.constant dense<0.000000e+00> : vector<256x256xf32>
    %dot_general3A_25 = tpu.matmul %select_n3A, %get3A_24, %dot_general3A {dimension_numbers = #tpu.dot_dimension_numbers<[1], [0], [0], [1], [0, 0, 1, 1], [], []>, transpose_lhs_hint = false} : vector<256x864xf32>, vector<864x256xf32>, vector<256x256xf32> -> vector<256x256xf32>
    %swap3A = arith.constant 0 : index
    %swap3A_26 = arith.constant 0 : index
    %swap3A_27 = vector.load %arg5[%swap3A, %swap3A_26] : memref<256x256xf32, #tpu.memory_space<vmem>>, vector<256x256xf32>
    tpu.vector_store %arg5[%swap3A, %swap3A_26], %dot_general3A_25 {strides = array<i32>} : memref<256x256xf32, #tpu.memory_space<vmem>>, vector<256x256xf32>,
    %eq3A = arith.constant 0 : i32
    %eq3A_28 = arith.cmpi eq, %arg0, %eq3A : i32
    %convert_element_type3A = arith.extui %eq3A_28 : i1 to i32
    %cond3A = arith.constant 0 : i32
    %cond3A_29 = arith.cmpi ne, %convert_element_type3A, %cond3A : i32
    scf.if %cond3A_29 {
      %broadcast_in_dim3A_50 = arith.constant 0.000000e+00 : f32
      %broadcast_in_dim3A_51 = vector.broadcast %broadcast_in_dim3A_50 : f32 to vector<8x256xf32>
      %swap3A_52 = arith.constant 0 : index
      %swap3A_53 = arith.constant 0 : index
      %swap3A_54 = vector.load %arg6[%swap3A_52, %swap3A_53] : memref<8x256xf32, #tpu.memory_space<vmem>>, vector<8x256xf32>
      tpu.vector_store %arg6[%swap3A_52, %swap3A_53], %broadcast_in_dim3A_51 {strides = array<i32>} : memref<8x256xf32, #tpu.memory_space<vmem>>, vector<8x256xf32>,
    } else {
    }
    %get3A_30 = arith.constant 0 : index
    %get3A_31 = arith.constant 0 : index
    %get3A_32 = vector.load %arg6[%get3A_30, %get3A_31] : memref<8x256xf32, #tpu.memory_space<vmem>>, vector<1x256xf32>
    %reduce_sum3A = arith.constant dense<0.000000e+00> : vector<256xf32>
    %reduce_sum3A_33 = vector.multi_reduction <add>, %dot_general3A_25, %reduce_sum3A [0] : vector<256x256xf32> to vector<256xf32>
    %broadcast_in_dim3A_34 = vector.shape_cast %reduce_sum3A_33 : vector<256xf32> to vector<1x256xf32>
    %add3A_35 = arith.addf %get3A_32, %broadcast_in_dim3A_34 : vector<1x256xf32>
    %swap3A_36 = arith.constant 0 : index
    %swap3A_37 = arith.constant 0 : index
    %swap3A_38 = vector.load %arg6[%swap3A_36, %swap3A_37] : memref<8x256xf32, #tpu.memory_space<vmem>>, vector<1x256xf32>
    tpu.vector_store %arg6[%swap3A_36, %swap3A_37], %add3A_35 {strides = array<i32>} : memref<8x256xf32, #tpu.memory_space<vmem>>, vector<1x256xf32>,
    %get3A_39 = arith.constant 1 : index
    %get3A_40 = arith.constant 0 : index
    %get3A_41 = vector.load %arg6[%get3A_39, %get3A_40] : memref<8x256xf32, #tpu.memory_space<vmem>>, vector<1x256xf32>
    %mul3A_42 = arith.mulf %dot_general3A_25, %dot_general3A_25 : vector<256x256xf32>
    %reduce_sum3A_43 = arith.constant dense<0.000000e+00> : vector<256xf32>
    %reduce_sum3A_44 = vector.multi_reduction <add>, %mul3A_42, %reduce_sum3A_43 [0] : vector<256x256xf32> to vector<256xf32>
    %broadcast_in_dim3A_45 = vector.shape_cast %reduce_sum3A_44 : vector<256xf32> to vector<1x256xf32>
    %add3A_46 = arith.addf %get3A_41, %broadcast_in_dim3A_45 : vector<1x256xf32>
    %swap3A_47 = arith.constant 1 : index
    %swap3A_48 = arith.constant 0 : index
    %swap3A_49 = vector.load %arg6[%swap3A_47, %swap3A_48] : memref<8x256xf32, #tpu.memory_space<vmem>>, vector<1x256xf32>
    tpu.vector_store %arg6[%swap3A_47, %swap3A_48], %add3A_46 {strides = array<i32>} : memref<8x256xf32, #tpu.memory_space<vmem>>, vector<1x256xf32>,
    return
  }
  func.func @transform_0(%arg0: i32) -> (i32, i32) {
    %c0_i32 = arith.constant 0 : i32
    %c0_i32_0 = arith.constant 0 : i32
    return %arg0, %c0_i32 : i32, i32
  }
  func.func @transform_1(%arg0: i32) -> (i32, i32) {
    %c0_i32 = arith.constant 0 : i32
    %c0_i32_0 = arith.constant 0 : i32
    %c0_i32_1 = arith.constant 0 : i32
    return %c0_i32, %c0_i32_0 : i32, i32
  }
  func.func @transform_2(%arg0: i32) -> (i32, i32) {
    %c0_i32 = arith.constant 0 : i32
    %c0_i32_0 = arith.constant 0 : i32
    %c0_i32_1 = arith.constant 0 : i32
    return %c0_i32, %c0_i32_0 : i32, i32
  }
  func.func @transform_3(%arg0: i32) -> (i32, i32) {
    %c0_i32 = arith.constant 0 : i32
    %c0_i32_0 = arith.constant 0 : i32
    %c0_i32_1 = arith.constant 0 : i32
    return %c0_i32, %c0_i32_0 : i32, i32
  }
  func.func @transform_4(%arg0: i32) -> (i32, i32) {
    %c0_i32 = arith.constant 0 : i32
    %c0_i32_0 = arith.constant 0 : i32
    return %arg0, %c0_i32 : i32, i32
  }
  func.func @transform_5(%arg0: i32) -> (i32, i32) {
    %c0_i32 = arith.constant 0 : i32
    %c0_i32_0 = arith.constant 0 : i32
    %c0_i32_1 = arith.constant 0 : i32
    return %c0_i32, %c0_i32_0 : i32, i32
  }
}

module attributes {stable_mosaic.version = 14 : i64} {
  func.func @_stage_kernel(%arg0: i32, %arg1: memref<256x256xf32, #tpu.memory_space<vmem>>, %arg2: memref<256x432xf32, #tpu.memory_space<vmem>>, %arg3: memref<1x256xf32, #tpu.memory_space<vmem>>, %arg4: memref<1x256xf32, #tpu.memory_space<vmem>>, %arg5: memref<256x432xf32, #tpu.memory_space<vmem>>, %arg6: memref<8x432xf32, #tpu.memory_space<vmem>>) attributes {dimension_semantics = [#tpu.dimension_semantics<arbitrary>], iteration_bounds = array<i64: 20>, scalar_prefetch = 0 : i64, scratch_operands = 0 : i64, tpu.core_type = #tpu.core_type<tc>, window_params = [{transform_indices = @transform_0, window_bounds = array<i64: 256, 256>}, {pipeline_mode = #tpu.pipeline_mode<synchronous>, transform_indices = @transform_1, window_bounds = array<i64: 256, 432>}, {pipeline_mode = #tpu.pipeline_mode<synchronous>, transform_indices = @transform_2, window_bounds = array<i64: 1, 256>}, {pipeline_mode = #tpu.pipeline_mode<synchronous>, transform_indices = @transform_3, window_bounds = array<i64: 1, 256>}, {transform_indices = @transform_4, window_bounds = array<i64: 256, 432>}, {pipeline_mode = #tpu.pipeline_mode<synchronous>, transform_indices = @transform_5, window_bounds = array<i64: 8, 432>}]} {
    %get3A = arith.constant 0 : index
    %get3A_0 = arith.constant 0 : index
    %get3A_1 = vector.load %arg1[%get3A, %get3A_0] : memref<256x256xf32, #tpu.memory_space<vmem>>, vector<256x256xf32>
    %get3A_2 = arith.constant 0 : index
    %get3A_3 = arith.constant 0 : index
    %get3A_4 = vector.load %arg3[%get3A_2, %get3A_3] : memref<1x256xf32, #tpu.memory_space<vmem>>, vector<1x256xf32>
    %get3A_5 = vector.shape_cast %get3A_4 : vector<1x256xf32> to vector<256xf32>
    %broadcast_in_dim3A = vector.shape_cast %get3A_5 : vector<256xf32> to vector<1x256xf32>
    %mul3A = vector.broadcast %broadcast_in_dim3A : vector<1x256xf32> to vector<256x256xf32>
    %mul3A_6 = arith.mulf %get3A_1, %mul3A : vector<256x256xf32>
    %get3A_7 = arith.constant 0 : index
    %get3A_8 = arith.constant 0 : index
    %get3A_9 = vector.load %arg4[%get3A_7, %get3A_8] : memref<1x256xf32, #tpu.memory_space<vmem>>, vector<1x256xf32>
    %get3A_10 = vector.shape_cast %get3A_9 : vector<1x256xf32> to vector<256xf32>
    %broadcast_in_dim3A_11 = vector.shape_cast %get3A_10 : vector<256xf32> to vector<1x256xf32>
    %add3A = vector.broadcast %broadcast_in_dim3A_11 : vector<1x256xf32> to vector<256x256xf32>
    %add3A_12 = arith.addf %mul3A_6, %add3A : vector<256x256xf32>
    %max3A = arith.constant 0.000000e+00 : f32
    %max3A_13 = vector.broadcast %max3A : f32 to vector<256x256xf32>
    %max3A_14 = arith.maximumf %add3A_12, %max3A_13 : vector<256x256xf32>
    %iota3A = tpu.iota {dimensions = array<i32: 0>} : vector<256x256xi32>
    %mul3A_15 = arith.constant 256 : i32
    %mul3A_16 = arith.muli %arg0, %mul3A_15 : i32
    %add3A_17 = vector.broadcast %mul3A_16 : i32 to vector<256x256xi32>
    %add3A_18 = arith.addi %iota3A, %add3A_17 : vector<256x256xi32>
    %lt3A = arith.constant 5000 : i32
    %lt3A_19 = vector.broadcast %lt3A : i32 to vector<256x256xi32>
    %lt3A_20 = arith.cmpi slt, %add3A_18, %lt3A_19 : vector<256x256xi32>
    %jit3A = arith.constant 0.000000e+00 : f32
    %broadcast_in_dim3A_21 = vector.broadcast %jit3A : f32 to vector<256x256xf32>
    %select_n3A = arith.select %lt3A_20, %max3A_14, %broadcast_in_dim3A_21 : vector<256x256xi1>, vector<256x256xf32>
    %get3A_22 = arith.constant 0 : index
    %get3A_23 = arith.constant 0 : index
    %get3A_24 = vector.load %arg2[%get3A_22, %get3A_23] : memref<256x432xf32, #tpu.memory_space<vmem>>, vector<256x432xf32>
    %dot_general3A = arith.constant dense<0.000000e+00> : vector<256x432xf32>
    %dot_general3A_25 = tpu.matmul %select_n3A, %get3A_24, %dot_general3A {dimension_numbers = #tpu.dot_dimension_numbers<[1], [0], [0], [1], [0, 0, 1, 1], [], []>, transpose_lhs_hint = false} : vector<256x256xf32>, vector<256x432xf32>, vector<256x432xf32> -> vector<256x432xf32>
    %swap3A = arith.constant 0 : index
    %swap3A_26 = arith.constant 0 : index
    %swap3A_27 = vector.load %arg5[%swap3A, %swap3A_26] : memref<256x432xf32, #tpu.memory_space<vmem>>, vector<256x432xf32>
    tpu.vector_store %arg5[%swap3A, %swap3A_26], %dot_general3A_25 {strides = array<i32>} : memref<256x432xf32, #tpu.memory_space<vmem>>, vector<256x432xf32>,
    %eq3A = arith.constant 0 : i32
    %eq3A_28 = arith.cmpi eq, %arg0, %eq3A : i32
    %convert_element_type3A = arith.extui %eq3A_28 : i1 to i32
    %cond3A = arith.constant 0 : i32
    %cond3A_29 = arith.cmpi ne, %convert_element_type3A, %cond3A : i32
    scf.if %cond3A_29 {
      %broadcast_in_dim3A_50 = arith.constant 0.000000e+00 : f32
      %broadcast_in_dim3A_51 = vector.broadcast %broadcast_in_dim3A_50 : f32 to vector<8x432xf32>
      %swap3A_52 = arith.constant 0 : index
      %swap3A_53 = arith.constant 0 : index
      %swap3A_54 = vector.load %arg6[%swap3A_52, %swap3A_53] : memref<8x432xf32, #tpu.memory_space<vmem>>, vector<8x432xf32>
      tpu.vector_store %arg6[%swap3A_52, %swap3A_53], %broadcast_in_dim3A_51 {strides = array<i32>} : memref<8x432xf32, #tpu.memory_space<vmem>>, vector<8x432xf32>,
    } else {
    }
    %get3A_30 = arith.constant 0 : index
    %get3A_31 = arith.constant 0 : index
    %get3A_32 = vector.load %arg6[%get3A_30, %get3A_31] : memref<8x432xf32, #tpu.memory_space<vmem>>, vector<1x432xf32>
    %reduce_sum3A = arith.constant dense<0.000000e+00> : vector<432xf32>
    %reduce_sum3A_33 = vector.multi_reduction <add>, %dot_general3A_25, %reduce_sum3A [0] : vector<256x432xf32> to vector<432xf32>
    %broadcast_in_dim3A_34 = vector.shape_cast %reduce_sum3A_33 : vector<432xf32> to vector<1x432xf32>
    %add3A_35 = arith.addf %get3A_32, %broadcast_in_dim3A_34 : vector<1x432xf32>
    %swap3A_36 = arith.constant 0 : index
    %swap3A_37 = arith.constant 0 : index
    %swap3A_38 = vector.load %arg6[%swap3A_36, %swap3A_37] : memref<8x432xf32, #tpu.memory_space<vmem>>, vector<1x432xf32>
    tpu.vector_store %arg6[%swap3A_36, %swap3A_37], %add3A_35 {strides = array<i32>} : memref<8x432xf32, #tpu.memory_space<vmem>>, vector<1x432xf32>,
    %get3A_39 = arith.constant 1 : index
    %get3A_40 = arith.constant 0 : index
    %get3A_41 = vector.load %arg6[%get3A_39, %get3A_40] : memref<8x432xf32, #tpu.memory_space<vmem>>, vector<1x432xf32>
    %mul3A_42 = arith.mulf %dot_general3A_25, %dot_general3A_25 : vector<256x432xf32>
    %reduce_sum3A_43 = arith.constant dense<0.000000e+00> : vector<432xf32>
    %reduce_sum3A_44 = vector.multi_reduction <add>, %mul3A_42, %reduce_sum3A_43 [0] : vector<256x432xf32> to vector<432xf32>
    %broadcast_in_dim3A_45 = vector.shape_cast %reduce_sum3A_44 : vector<432xf32> to vector<1x432xf32>
    %add3A_46 = arith.addf %get3A_41, %broadcast_in_dim3A_45 : vector<1x432xf32>
    %swap3A_47 = arith.constant 1 : index
    %swap3A_48 = arith.constant 0 : index
    %swap3A_49 = vector.load %arg6[%swap3A_47, %swap3A_48] : memref<8x432xf32, #tpu.memory_space<vmem>>, vector<1x432xf32>
    tpu.vector_store %arg6[%swap3A_47, %swap3A_48], %add3A_46 {strides = array<i32>} : memref<8x432xf32, #tpu.memory_space<vmem>>, vector<1x432xf32>,
    return
  }
  func.func @transform_0(%arg0: i32) -> (i32, i32) {
    %c0_i32 = arith.constant 0 : i32
    %c0_i32_0 = arith.constant 0 : i32
    return %arg0, %c0_i32 : i32, i32
  }
  func.func @transform_1(%arg0: i32) -> (i32, i32) {
    %c0_i32 = arith.constant 0 : i32
    %c0_i32_0 = arith.constant 0 : i32
    %c0_i32_1 = arith.constant 0 : i32
    return %c0_i32, %c0_i32_0 : i32, i32
  }
  func.func @transform_2(%arg0: i32) -> (i32, i32) {
    %c0_i32 = arith.constant 0 : i32
    %c0_i32_0 = arith.constant 0 : i32
    %c0_i32_1 = arith.constant 0 : i32
    return %c0_i32, %c0_i32_0 : i32, i32
  }
  func.func @transform_3(%arg0: i32) -> (i32, i32) {
    %c0_i32 = arith.constant 0 : i32
    %c0_i32_0 = arith.constant 0 : i32
    %c0_i32_1 = arith.constant 0 : i32
    return %c0_i32, %c0_i32_0 : i32, i32
  }
  func.func @transform_4(%arg0: i32) -> (i32, i32) {
    %c0_i32 = arith.constant 0 : i32
    %c0_i32_0 = arith.constant 0 : i32
    return %arg0, %c0_i32 : i32, i32
  }
  func.func @transform_5(%arg0: i32) -> (i32, i32) {
    %c0_i32 = arith.constant 0 : i32
    %c0_i32_0 = arith.constant 0 : i32
    %c0_i32_1 = arith.constant 0 : i32
    return %c0_i32, %c0_i32_0 : i32, i32
  }
}

module attributes {stable_mosaic.version = 14 : i64} {
  func.func @_stage_kernel(%arg0: i32, %arg1: memref<256x432xf32, #tpu.memory_space<vmem>>, %arg2: memref<432x16xf32, #tpu.memory_space<vmem>>, %arg3: memref<1x432xf32, #tpu.memory_space<vmem>>, %arg4: memref<1x432xf32, #tpu.memory_space<vmem>>, %arg5: memref<256x16xf32, #tpu.memory_space<vmem>>, %arg6: memref<8x16xf32, #tpu.memory_space<vmem>>) attributes {dimension_semantics = [#tpu.dimension_semantics<arbitrary>], iteration_bounds = array<i64: 20>, scalar_prefetch = 0 : i64, scratch_operands = 0 : i64, tpu.core_type = #tpu.core_type<tc>, window_params = [{transform_indices = @transform_0, window_bounds = array<i64: 256, 432>}, {pipeline_mode = #tpu.pipeline_mode<synchronous>, transform_indices = @transform_1, window_bounds = array<i64: 432, 16>}, {pipeline_mode = #tpu.pipeline_mode<synchronous>, transform_indices = @transform_2, window_bounds = array<i64: 1, 432>}, {pipeline_mode = #tpu.pipeline_mode<synchronous>, transform_indices = @transform_3, window_bounds = array<i64: 1, 432>}, {transform_indices = @transform_4, window_bounds = array<i64: 256, 16>}, {pipeline_mode = #tpu.pipeline_mode<synchronous>, transform_indices = @transform_5, window_bounds = array<i64: 8, 16>}]} {
    %get3A = arith.constant 0 : index
    %get3A_0 = arith.constant 0 : index
    %get3A_1 = vector.load %arg1[%get3A, %get3A_0] : memref<256x432xf32, #tpu.memory_space<vmem>>, vector<256x432xf32>
    %get3A_2 = arith.constant 0 : index
    %get3A_3 = arith.constant 0 : index
    %get3A_4 = vector.load %arg3[%get3A_2, %get3A_3] : memref<1x432xf32, #tpu.memory_space<vmem>>, vector<1x432xf32>
    %get3A_5 = vector.shape_cast %get3A_4 : vector<1x432xf32> to vector<432xf32>
    %broadcast_in_dim3A = vector.shape_cast %get3A_5 : vector<432xf32> to vector<1x432xf32>
    %mul3A = vector.broadcast %broadcast_in_dim3A : vector<1x432xf32> to vector<256x432xf32>
    %mul3A_6 = arith.mulf %get3A_1, %mul3A : vector<256x432xf32>
    %get3A_7 = arith.constant 0 : index
    %get3A_8 = arith.constant 0 : index
    %get3A_9 = vector.load %arg4[%get3A_7, %get3A_8] : memref<1x432xf32, #tpu.memory_space<vmem>>, vector<1x432xf32>
    %get3A_10 = vector.shape_cast %get3A_9 : vector<1x432xf32> to vector<432xf32>
    %broadcast_in_dim3A_11 = vector.shape_cast %get3A_10 : vector<432xf32> to vector<1x432xf32>
    %add3A = vector.broadcast %broadcast_in_dim3A_11 : vector<1x432xf32> to vector<256x432xf32>
    %add3A_12 = arith.addf %mul3A_6, %add3A : vector<256x432xf32>
    %max3A = arith.constant 0.000000e+00 : f32
    %max3A_13 = vector.broadcast %max3A : f32 to vector<256x432xf32>
    %max3A_14 = arith.maximumf %add3A_12, %max3A_13 : vector<256x432xf32>
    %iota3A = tpu.iota {dimensions = array<i32: 0>} : vector<256x432xi32>
    %mul3A_15 = arith.constant 256 : i32
    %mul3A_16 = arith.muli %arg0, %mul3A_15 : i32
    %add3A_17 = vector.broadcast %mul3A_16 : i32 to vector<256x432xi32>
    %add3A_18 = arith.addi %iota3A, %add3A_17 : vector<256x432xi32>
    %lt3A = arith.constant 5000 : i32
    %lt3A_19 = vector.broadcast %lt3A : i32 to vector<256x432xi32>
    %lt3A_20 = arith.cmpi slt, %add3A_18, %lt3A_19 : vector<256x432xi32>
    %jit3A = arith.constant 0.000000e+00 : f32
    %broadcast_in_dim3A_21 = vector.broadcast %jit3A : f32 to vector<256x432xf32>
    %select_n3A = arith.select %lt3A_20, %max3A_14, %broadcast_in_dim3A_21 : vector<256x432xi1>, vector<256x432xf32>
    %get3A_22 = arith.constant 0 : index
    %get3A_23 = arith.constant 0 : index
    %get3A_24 = vector.load %arg2[%get3A_22, %get3A_23] : memref<432x16xf32, #tpu.memory_space<vmem>>, vector<432x16xf32>
    %dot_general3A = arith.constant dense<0.000000e+00> : vector<256x16xf32>
    %dot_general3A_25 = tpu.matmul %select_n3A, %get3A_24, %dot_general3A {dimension_numbers = #tpu.dot_dimension_numbers<[1], [0], [0], [1], [0, 0, 1, 1], [], []>, transpose_lhs_hint = false} : vector<256x432xf32>, vector<432x16xf32>, vector<256x16xf32> -> vector<256x16xf32>
    %swap3A = arith.constant 0 : index
    %swap3A_26 = arith.constant 0 : index
    %swap3A_27 = vector.load %arg5[%swap3A, %swap3A_26] : memref<256x16xf32, #tpu.memory_space<vmem>>, vector<256x16xf32>
    tpu.vector_store %arg5[%swap3A, %swap3A_26], %dot_general3A_25 {strides = array<i32>} : memref<256x16xf32, #tpu.memory_space<vmem>>, vector<256x16xf32>,
    %eq3A = arith.constant 0 : i32
    %eq3A_28 = arith.cmpi eq, %arg0, %eq3A : i32
    %convert_element_type3A = arith.extui %eq3A_28 : i1 to i32
    %cond3A = arith.constant 0 : i32
    %cond3A_29 = arith.cmpi ne, %convert_element_type3A, %cond3A : i32
    scf.if %cond3A_29 {
      %broadcast_in_dim3A_50 = arith.constant 0.000000e+00 : f32
      %broadcast_in_dim3A_51 = vector.broadcast %broadcast_in_dim3A_50 : f32 to vector<8x16xf32>
      %swap3A_52 = arith.constant 0 : index
      %swap3A_53 = arith.constant 0 : index
      %swap3A_54 = vector.load %arg6[%swap3A_52, %swap3A_53] : memref<8x16xf32, #tpu.memory_space<vmem>>, vector<8x16xf32>
      tpu.vector_store %arg6[%swap3A_52, %swap3A_53], %broadcast_in_dim3A_51 {strides = array<i32>} : memref<8x16xf32, #tpu.memory_space<vmem>>, vector<8x16xf32>,
    } else {
    }
    %get3A_30 = arith.constant 0 : index
    %get3A_31 = arith.constant 0 : index
    %get3A_32 = vector.load %arg6[%get3A_30, %get3A_31] : memref<8x16xf32, #tpu.memory_space<vmem>>, vector<1x16xf32>
    %reduce_sum3A = arith.constant dense<0.000000e+00> : vector<16xf32>
    %reduce_sum3A_33 = vector.multi_reduction <add>, %dot_general3A_25, %reduce_sum3A [0] : vector<256x16xf32> to vector<16xf32>
    %broadcast_in_dim3A_34 = vector.shape_cast %reduce_sum3A_33 : vector<16xf32> to vector<1x16xf32>
    %add3A_35 = arith.addf %get3A_32, %broadcast_in_dim3A_34 : vector<1x16xf32>
    %swap3A_36 = arith.constant 0 : index
    %swap3A_37 = arith.constant 0 : index
    %swap3A_38 = vector.load %arg6[%swap3A_36, %swap3A_37] : memref<8x16xf32, #tpu.memory_space<vmem>>, vector<1x16xf32>
    tpu.vector_store %arg6[%swap3A_36, %swap3A_37], %add3A_35 {strides = array<i32>} : memref<8x16xf32, #tpu.memory_space<vmem>>, vector<1x16xf32>,
    %get3A_39 = arith.constant 1 : index
    %get3A_40 = arith.constant 0 : index
    %get3A_41 = vector.load %arg6[%get3A_39, %get3A_40] : memref<8x16xf32, #tpu.memory_space<vmem>>, vector<1x16xf32>
    %mul3A_42 = arith.mulf %dot_general3A_25, %dot_general3A_25 : vector<256x16xf32>
    %reduce_sum3A_43 = arith.constant dense<0.000000e+00> : vector<16xf32>
    %reduce_sum3A_44 = vector.multi_reduction <add>, %mul3A_42, %reduce_sum3A_43 [0] : vector<256x16xf32> to vector<16xf32>
    %broadcast_in_dim3A_45 = vector.shape_cast %reduce_sum3A_44 : vector<16xf32> to vector<1x16xf32>
    %add3A_46 = arith.addf %get3A_41, %broadcast_in_dim3A_45 : vector<1x16xf32>
    %swap3A_47 = arith.constant 1 : index
    %swap3A_48 = arith.constant 0 : index
    %swap3A_49 = vector.load %arg6[%swap3A_47, %swap3A_48] : memref<8x16xf32, #tpu.memory_space<vmem>>, vector<1x16xf32>
    tpu.vector_store %arg6[%swap3A_47, %swap3A_48], %add3A_46 {strides = array<i32>} : memref<8x16xf32, #tpu.memory_space<vmem>>, vector<1x16xf32>,
    return
  }
  func.func @transform_0(%arg0: i32) -> (i32, i32) {
    %c0_i32 = arith.constant 0 : i32
    %c0_i32_0 = arith.constant 0 : i32
    return %arg0, %c0_i32 : i32, i32
  }
  func.func @transform_1(%arg0: i32) -> (i32, i32) {
    %c0_i32 = arith.constant 0 : i32
    %c0_i32_0 = arith.constant 0 : i32
    %c0_i32_1 = arith.constant 0 : i32
    return %c0_i32, %c0_i32_0 : i32, i32
  }
  func.func @transform_2(%arg0: i32) -> (i32, i32) {
    %c0_i32 = arith.constant 0 : i32
    %c0_i32_0 = arith.constant 0 : i32
    %c0_i32_1 = arith.constant 0 : i32
    return %c0_i32, %c0_i32_0 : i32, i32
  }
  func.func @transform_3(%arg0: i32) -> (i32, i32) {
    %c0_i32 = arith.constant 0 : i32
    %c0_i32_0 = arith.constant 0 : i32
    %c0_i32_1 = arith.constant 0 : i32
    return %c0_i32, %c0_i32_0 : i32, i32
  }
  func.func @transform_4(%arg0: i32) -> (i32, i32) {
    %c0_i32 = arith.constant 0 : i32
    %c0_i32_0 = arith.constant 0 : i32
    return %arg0, %c0_i32 : i32, i32
  }
  func.func @transform_5(%arg0: i32) -> (i32, i32) {
    %c0_i32 = arith.constant 0 : i32
    %c0_i32_0 = arith.constant 0 : i32
    %c0_i32_1 = arith.constant 0 : i32
    return %c0_i32, %c0_i32_0 : i32, i32
  }
}

</mosaic_0001>

<sc_bundles>
// kernel: gather_offload_async_start
scs
__scs_entry_jumppad:
0x0: {  	(pc) =	sbr.rel $0x88, $3  }
0x1: {  	(tag) =	ssettag $0x0;
	lr =	simm.s32 $0x1  }
0x2: {  	[smem:$0x3F93] =	sst lr;
	_ =	strace $0xD0000000  }
0x3: {  	_ = 	snop  }
0x4: {  	_ = 	snop  }
0x5: {  	_ = 	snop  }
0x6: {  	_ = 	snop  }
0x7: {  	_ = 	snop  }
__scs_overlays_trampoline_lowered:
0x8: {  	[smem:$0x3FA2] =	sst s0  }
0x9: {  	[smem:$0x3FA3] =	sst s1  }
0xa: {  	[smem:$0x3FA4] =	sst s2  }
0xb: {  	[smem:$0x3FA5] =	sst s3  }
0xc: {  	[smem:$0x3FA6] =	sst s4  }
0xd: {  	[smem:$0x3FA7] =	sst s5  }
0xe: {  	[smem:$0x3FA8] =	sst s6  }
0xf: {  	[smem:$0x3FA9] =	sst s7  }
0x10: {  	[smem:$0x3FAA] =	sst s8  }
0x11: {  	[smem:$0x3FAB] =	sst s9;
	s0 =	simm.s32 @!p0 $0x0  }
0x12: {  	s1 =	sld [smem:$0x3F91];
	s0 =	simm.s32 @p0 $0x1  }
0x13: {  	[smem:$0x3FAC] =	sst s0;
	s0 =	simm.s32 @!p1 $0x0  }
0x14: {  	s2 =	sld [smem:$0x3F90];
	s0 =	simm.s32 @p1 $0x1  }
0x15: {  	[smem:$0x3FAD] =	sst s0;
	s0 =	simm.s32 @!p2 $0x0  }
0x16: {  	s3 =	sld [smem:$0x3FDB];
	s0 =	simm.s32 @p2 $0x1  }
0x17: {  	s4 =	simm.s32 $0x1BF5;
	[smem:$0x3FAF] =	sst s0  }
0x18: {  	s0 =	sld [smem:$0x3F92];
	_ =	swait.ge [sflag:s4], $0x0  }
0x19: {  	s7 =	sld [smem:$0x3F93]  }
0x1a: {  	s8 =	sadd.s32 $0xFFFFE003, lr  }
0x1b: {  	s9 =	sadd.s32 $0xFFFFFEF7, lr;
	s5 =	simm.s32 $0xFFFFFFFF;
	p2 =	slt.u32 s8, $0xFFFFF086  }
0x1c: {  	p1 =	slt.u32 s9, $0xF7A;
	s5 =	simm.s32 @!p2 $0x0  }
0x1d: {  	s5 =	simm.s32 @p1 $0x1;
	p0 =	seq.s32 s7, s2  }
0x1e: {  	s7 =	smul.u32 @!p0 $0xF7A, s2;
	p2 =	seq.s32 @!p0 s5, $0x0  }
0x1f: {  	s9 =	smul.u32 $0xF7A, s1;
	s8 =	simm.s32 @!p0 $0x1BF5;
	p2 =	por !p2, p0  }
0x20: {  	[sflag:s8] =	ssyncset.s32 @!p0 $0xFFFFF086;
	s6 =	sadd.s32 @!p0 s3, s7;
	s7 =	simm.s32 @!p0 $0x108  }
0x21: {  	s3 =	sadd.s32 s3, s9;
	s6 =	sadd.s32 @!p0 $0x88, s6;
	s7 =	simm.s32 @p2 $0x1082  }
0x22: {  	[simem:s7], [sflag:s8] =	dma.local @!p0 [hbm:s6], $0xF7A  }
0x23: {  	s9 =	sor.u32 $0xD0000000, s2;
	s6 =	simm.s32 $0x108;
	_ =	swait.ge @!p0 [sflag:s8], $0x0  }
0x24: {  	s3 =	sadd.s32 $0x88, s3;
	s6 =	simm.s32 @!p1 $0x1082;
	[sflag:s4] =	ssyncset.s32 $0xFFFFF086  }
0x25: {  	[simem:s6], [sflag:s4] =	dma.local [hbm:s3], $0xF7A  }
0x26: {  	[smem:$0x3F93] =	sst s1;
	(tag) =	ssettag s2;
	_ =	strace s9  }
0x27: {  	s1 =	sld [smem:$0x3FA3]  }
0x28: {  	s2 =	sld [smem:$0x3FA4]  }
0x29: {  	s4 =	sld [smem:$0x3FA6]  }
0x2a: {  	p0 =	seq.s32 s5, $0x0;
	s5 =	sld [smem:$0x3FA7]  }
0x2b: {  	s6 =	sld [smem:$0x3FA8]  }
0x2c: {  	s7 =	sld [smem:$0x3FA9]  }
0x2d: {  	s3 =	simm.s32 $0x108;
	s8 =	sld [smem:$0x3FAA]  }
0x2e: {  	s3 =	simm.s32 @!p0 $0x1082;
	s9 =	sld [smem:$0x3FAB]  }
0x2f: {  	lr =	sadd.s32 s0, s3;
	s0 =	sld [smem:$0x3FA2]  }
0x30: {  	s3 =	sld [smem:$0x3FA5]  }
0x31: {  	[smem:$0x3FAE] =	sst s10  }
0x32: {  	s10 =	sld [smem:$0x3FAC];
	_ =	sdelay $0x3  }
0x33: {  	p0 =	seq.s32 s10, $0x1;
	s10 =	sld [smem:$0x3FAE];
	_ =	sdelay $0x3  }
0x34: {  	[smem:$0x3FAE] =	sst s10  }
0x35: {  	s10 =	sld [smem:$0x3FAD];
	_ =	sdelay $0x3  }
0x36: {  	p1 =	seq.s32 s10, $0x1;
	s10 =	sld [smem:$0x3FAE];
	_ =	sdelay $0x3  }
0x37: {  	[smem:$0x3FAE] =	sst s10  }
0x38: {  	s10 =	sld [smem:$0x3FAF]  }
0x39: {  	_ = 	snop;
	(pc) =	sbr.ind lr, $3  }
0x3a: {  	_ = 	snop  }
0x3b: {  	_ = 	snop  }
0x3c: {  	p2 =	seq.s32 s10, $0x1;
	s10 =	sld [smem:$0x3FAE]  }
0x3d: {  	_ =	shalt  }
0x3e: {  	_ =	shalt  }
0x3f: {  	_ =	shalt  }
0x40: {  	_ =	shalt  }
0x41: {  	_ =	shalt  }
0x42: {  	_ =	shalt  }
0x43: {  	_ =	shalt  }
0x44: {  	_ =	shalt  }
0x45: {  	_ =	shalt  }
0x46: {  	_ =	shalt  }
0x47: {  	_ =	shalt  }
0x48: {  	_ =	shalt  }
0x49: {  	_ =	shalt  }
0x4a: {  	_ =	shalt  }
0x4b: {  	_ =	shalt  }
0x4c: {  	_ =	shalt  }
0x4d: {  	_ =	shalt  }
0x4e: {  	_ =	shalt  }
0x4f: {  	_ =	shalt  }
0x50: {  	_ =	shalt  }
0x51: {  	_ =	shalt  }
0x52: {  	_ =	shalt  }
0x53: {  	_ =	shalt  }
0x54: {  	_ =	shalt  }
0x55: {  	_ =	shalt  }
0x56: {  	_ =	shalt  }
0x57: {  	_ =	shalt  }
0x58: {  	_ =	shalt  }
0x59: {  	_ =	shalt  }
0x5a: {  	_ =	shalt  }
0x5b: {  	_ =	shalt  }
0x5c: {  	_ =	shalt  }
0x5d: {  	_ =	shalt  }
0x5e: {  	_ =	shalt  }
0x5f: {  	_ =	shalt  }
0x60: {  	_ =	shalt  }
0x61: {  	_ =	shalt  }
0x62: {  	_ =	shalt  }
0x63: {  	_ =	shalt  }
0x64: {  	_ =	shalt  }
0x65: {  	_ =	shalt  }
0x66: {  	_ =	shalt  }
0x67: {  	_ =	shalt  }
0x68: {  	_ =	shalt  }
0x69: {  	_ =	shalt  }
0x6a: {  	_ =	shalt  }
0x6b: {  	_ =	shalt  }
0x6c: {  	_ =	shalt  }
0x6d: {  	_ =	shalt  }
0x6e: {  	_ =	shalt  }
0x6f: {  	_ =	shalt  }
0x70: {  	_ =	shalt  }
0x71: {  	_ =	shalt  }
0x72: {  	_ =	shalt  }
0x73: {  	_ =	shalt  }
0x74: {  	_ =	shalt  }
0x75: {  	_ =	shalt  }
0x76: {  	_ =	shalt  }
0x77: {  	_ =	shalt  }
0x78: {  	_ =	shalt  }
0x79: {  	_ =	shalt  }
0x7a: {  	_ =	shalt  }
0x7b: {  	_ =	shalt  }
0x7c: {  	_ =	shalt  }
0x7d: {  	_ =	shalt  }
0x7e: {  	_ =	shalt  }
0x7f: {  	_ =	shalt  }
0x80: {  	_ =	shalt  }
0x81: {  	_ =	shalt  }
0x82: {  	_ =	shalt  }
0x83: {  	_ =	shalt  }
0x84: {  	_ =	shalt  }
0x85: {  	_ =	shalt  }
0x86: {  	_ =	shalt  }
0x87: {  	_ =	shalt  }
.Lfunc_end0:
.L_simem_size_0:
called_computation_lowered:
.L_overlay_start_0:
0x88: {  	s2 =	sld [smem:$0x3FD9]  }
0x89: {  	s3 =	sld [smem:$0x3FFE];
	_ =	sdelay $0x1  }
0x8a: {  	s1 =	srdreg.scid  }
0x8b: {  	s0 =	sand.u32 $0x1, s1  }
0x8c: {  	s16 =	sshll.u32 s0, $0xA;
	s2 =	sadd.s32 s3, s2  }
0x8d: {  	s2 =	sadd.s32 s2, s16  }
0x8e: {  	[smem:$0x3FBA] =	sst s2  }
0x8f: {  	_ = 	snop  }
0x90: {  	(tm) =	ssettm $0x1  }
0x91: {  	s17 =	sld [smem:$0x3FFB];
	_ =	sdelay $0x3  }
0x92: {  	_ =	strace s17  }
0x93: {  	s2 =	sld [smem:$0x3FFC];
	_ =	sdelay $0x3  }
0x94: {  	_ =	strace s2  }
0x95: {  	s2 =	sld [smem:$0x3FFD];
	_ =	sdelay $0x3  }
0x96: {  	_ =	strace s2  }
0x97: {  	_ =	strace $0x8FFFFFFF  }
0x98: {  	s18 =	sld [smem:$0x3FDB];
	_ =	sdelay $0x1  }
0x99: {  	s19 =	simm.s32 $_scs_section_size  }
0x9a: {  	s4 =	simm.s32 $_size__tile_overlayer_lowered;
	s5 =	simm.s32 $_tile_overlayer_lowered  }
0x9b: {  	s22 =	simm.s32 $0x1BFF;
	s21 =	sshll.u32 s5, $0x1;
	s2 =	sadd.s32 s19, s18  }
0x9c: {  	s6 =	simm.s32 $0x0;
	s20 =	sshll.u32 s4, $0x1;
	s4 =	sadd.s32 s21, s2  }
0x9d: {  	[timem:s6], [sflag:s22] =	dma.local [hbm:s4], s20  }
0x9e: {  	_ =	swait.ge [sflag:s22], s20  }
0x9f: {  	s3 =	ssub.s32 $0x0, s20;
	[sflag:s22] =	ssyncset.done $0x0  }
0xa0: {  	[sflag:s22] =	ssyncadd.s32 s3;
	_ =	sdelay $0x1  }
0xa1: {  	s23 =	simm.s32 $0x1B8B  }
0xa2: {  	_ =	swait.ge [sflag:s23], $0x1  }
0xa3: {  	[sflag:s23] =	ssyncset.done $0x0  }
0xa4: {  	s25 =	simm.s32 $0x1B8E;
	s24 =	sld [smem:$0x3FFE];
	[sflag:s23] =	ssyncadd.s32 $0xFFFFFFFF  }
0xa5: {  	s26 =	simm.s32 $execute0_lowered;
	[smem:$0x3FD2] =	sst s25  }
0xa6: {  	s4 =	sshll.u32 s26, $0x1;
	_ =	strace $0x80000046;
	[dreg:$0x1] =	wrdreg $0xFFFFFFFF  }
0xa7: {  	s28 =	simm.s32 $_size_execute0_lowered;
	s2 =	sadd.s32 s2, s4;
	[dreg:$0x0] =	wrdreg $0x0  }
0xa8: {  	s4 =	sshll.u32 s28, $0x1;
	[dreg:$0x2] =	wrdreg s2  }
0xa9: {  	[dreg:$0x3] =	wrdreg s4  }
0xaa: {  	[dreg:$0x4] =	wrdreg $0xC0  }
0xab: {  	_ =	task [dreg:s6], $0x5FFFF  }
0xac: {  	[dreg:$0x1] =	wrdreg $0xFFFFFFFF  }
0xad: {  	[dreg:$0x0] =	wrdreg $0x60  }
0xae: {  	[dreg:$0x2] =	wrdreg s24  }
0xaf: {  	[dreg:$0x3] =	wrdreg $0x9  }
0xb0: {  	_ =	task.clear_ibuf [dreg:s6], $0x4FFFF;
	_ =	strace $0x90000046  }
0xb1: {  	s29 =	simm.s32 $0x9;
	_ =	strace $0x80000048  }
0xb2: {  	_ =	swait.ge [sflag:s29], $0x1  }
0xb3: {  	[sflag:s29] =	ssyncadd.s32 $0xFFFFFFFF  }
0xb4: {  	_ =	strace $0x90000048  }
0xb5: {  	_ =	sfence  }
0xb6: {  	s30 =	sld [smem:$0x0];
	_ =	sdelay $0x2  }
0xb7: {  	s31 =	sshll.u32 s1, $0xD;
	s1 =	sshrl.u32 s1, $0x2  }
0xb8: {  	s3 =	sand.u32 $0x4000, s31;
	s1 =	sadd.s32 s1, s30  }
0xb9: {  	s0 =	sor.u32 s3, s0;
	s1 =	sshll.u32 s1, $0x11  }
0xba: {  	s0 =	sor.u32 s1, s0  }
0xbb: {  	s0 =	sadd.s32 $0x8F2B, s0  }
0xbc: {  	[sflag:s0] =	ssyncadd.remote.s32 $0x1  }
0xbd: {  	_ =	sfence.sel $0xFFFF  }
0xbe: {  	[dreg:$0x0] =	wrdreg $0xFFFFFFFF;
	(pc) =	sbr.abs _section_cstart, $3  }
0xbf: {  	[dreg:$0x1] =	wrdreg $0xFFFFFFFF  }
0xc0: {  	_ =	task.clear_ibuf [dreg:s6], $0x2FFFF;
	_ =	strace $0x9FFFFFFF  }
0xc1: {  	(tm) =	ssettm $0x7FFFFFFF  }
tec
execute0_lowered:
.L_overlay_start_1:
0x0: {  	(tag) =	ssettag $0x1  }
0x1: {  	s0 =	stileid.u32;
	s1 =	srdreg.scid  }
0x2: {  	s1 =	sand.u32 $0x1, s1;
	s2 =	sshll.u32 s0, $0x1  }
0x3: {  	s1 =	sor.u32 s2, s1  }
0x4: {  	s2 =	smul.u32 $0x7D00, s1;
	_ =	sdelay $0x1  }
0x5: {  	s6 =	ssub.s32 $0xA12200, s2  }
0x6: {  	s31 =	smulhi.u32 $0x83126F, s6  }
0x7: {  	s8 =	rddreg [dreg:$0x0];
	s5 =	simm.s32 $0x1;
	s10 =	simm.s32 $0x3  }
0x8: {  	s13 =	simm.s32 $0x0;
	s12 =	simm.s32 $0x0;
	s7 =	sshrl.u32 s31, $0xB  }
0x9: {  	s3 =	sadd.s32 $0x163AC00, s8;
	s4 =	sadd.s32 $0xAC00, s8;
	s9 =	smul.u32 $0xFA000, s7  }
.Ltmp0:
0xa: {  	s8 =	sadd.s32 $0x159C00, s8;
	s1 =	rddreg [dreg:$0x1];
	(pc) =	sbr.rel .LBB2_1-.Ltmp0, $4  }
0xb: {  	_ =	strace $0x80000047;
	p0 =	sne.s32 s6, s9;
	s9 =	simm.s32 $0x1  }
0xc: {  	[sflag:s5] =	ssyncpa.u1 $0x0;
	s6 =	simm.s32 $0x2;
	s9 =	simm.s32 @!p0 $0x0  }
0xd: {  	s11 =	smov.u32 s2;
	[sflag:s6] =	ssyncpa.u1 $0x0;
	s7 =	sadd.s32 s9, s7  }
0xe: {  	vm0 =	vmmov $0xffff;
	[sflag:s10] =	ssyncpa.u1 $0x0;
	s10 =	simm.s32 $0x0;
	s9 =	sadd.s32 $0x1, s7  }
.LBB2_4:
0xf: {  	v6 =	vand.u32 $0x7F, v3;
	v4 =	vsel vm1, $0xFD973800, v4  }
0x10: {  	v5 =	vmul.u32 $0x2400, v5;
	vm1 =	vmmov vm2;
	v56 =	vshll.u32 v3, $0x3  }
0x11: {  	v7 =	vand.u32 $0x3F, v1;
	v2 =	vshll.u32 v2, $0x7;
	v57 =	vshrl.u32 v1, $0x6  }
0x12: {  	v58 =	vshrl.u32 v1, $0x11;
	v4 =	vor.u32 v4, v6;
	v3 =	vand.u32 $0xFFFFFC00, v56  }
0x13: {  	v2 =	vand.u32 $0x380, v2;
	v4 =	vadd.s32 v5, v4;
	v5 =	vand.u32 $0x7FF, v57  }
0x14: {  	v1 =	vand.u32 $0x7FF, v58;
	v59 =	vmul.u32 $0x122400, v7;
	v5 =	vsel vm1, $0xFFFFFFFF, v5  }
0x15: {  	v1 =	vsel vm1, $0xFFFFFFFF, v1;
	v3 =	vadd.s32 v3, v4;
	v60 =	vshrl.u32 v5, $0x3  }
0x16: {  	v61 =	vand.u32 $0x7F, v1;
	v6 =	vsel vm1, $0xFD973800, v59;
	v4 =	vmul.u32 $0x2400, v60  }
0x17: {  	v1 =	vshll.u32 v1, $0x3;
	v2 =	vor.u32 v2, v3;
	v62 =	vor.u32 v6, v61  }
0x18: {  	v1 =	vand.u32 $0xFFFFFC00, v1;
	v5 =	vshll.u32 v5, $0x7;
	v3 =	vadd.s32 v4, v62  }
0x19: {  	v63 =	vand.u32 $0x380, v5;
	v1 =	vadd.s32 v1, v3  }
0x1a: {  	(ifvalue) =	ssetifvalue $0x7FFFFFFF;
	s15 =	sadd.s32 $0x10, s15;
	v1 =	vor.u32 v63, v1  }
0x1b: {  	[tilespmem:s15], [sflag:$0x1] =	stream.indirect_vreg.gather [hbm4b:s3+s10], $0x1, v0, vm0, $0x4038;
	[tilespmem:$0x1F400] =	vst v63  }
0x1c: {  	(ifvalue) =	ssetifvalue $0x7FFFFFFF;
	s15 =	sadd.s32 $0x10, s15  }
0x1d: {  	[tilespmem:s15], [sflag:$0x1] =	stream.indirect_vreg.gather [hbm4b:s3+s10], $0x1, v2, vm0, $0x4038;
	[tilespmem:$0x1F400] =	vst v63  }
0x1e: {  	(ifvalue) =	ssetifvalue $0x7FFFFFFF;
	s15 =	sadd.s32 $0x10, s15  }
0x1f: {  	[tilespmem:s15], [sflag:$0x1] =	stream.indirect_vreg.gather [hbm4b:s3+s10], $0x1, v1, vm0, $0x4038;
	[tilespmem:$0x1F400] =	vst v63  }
0x20: {  	_ =	swait.ge [sflag:s5], $0x7D00  }
0x21: {  	s30 =	sshrl.u32 s13, $0x3;
	[sflag:s5] =	ssyncset.done $0x0  }
0x22: {  	s31 =	sand.u32 $0x7, s13;
	s15 =	sadd.s32 s8, s30;
	[sflag:s5] =	ssyncadd.s32 $0xFFFF8300  }
0x23: {  	[hbm4b:s15+s31] =	stream.linear.scatter [tilespmem:s14], [sflag:$0x3], $0x7D00, $0x38;
	[tilespmem:$0x1F400] =	vst v63  }
.LBB2_5:
0x24: {  	s15 =	sadd.s32 $0xFA000, s11  }
0x25: {  	p1 =	sgt.s32 s15, $0xA121FF  }
0x26: {  	s15 =	smov.u32 @p1 s2;
	p1 =	sne.s32 s12, s9  }
.Ltmp1:
0x27: {  	p0 =	slt.u32 s12, $0x2;
	(pc) =	sbr.rel @!p1 .LBB2_6-.Ltmp1, $4  }
0x28: {  	s14 =	simm.s32 @!p0 $0x3  }
0x29: {  	_ =	swait.ge @!p0 [sflag:s14], $0x7D00  }
0x2a: {  	s16 =	sadd.s32 $0x1, s12;
	s13 =	smov.u32 s11;
	[sflag:s14] =	ssyncset.done @!p0 $0x0  }
0x2b: {  	s12 =	smov.u32 s16;
	s11 =	smov.u32 s15;
	[sflag:s14] =	ssyncadd.s32 @!p0 $0xFFFF8300  }
.LBB2_1:
0x2c: {  	p0 =	sge.u32 s12, s7  }
0x2d: {  	s14 =	sxor.u32 @!p0 $0xFFFFFFFF, s12  }
0x2e: {  	s14 =	sand.u32 @!p0 $0x1, s14  }
0x2f: {  	s14 =	smul.u32 @!p0 $0x1F400, s14  }
0x30: {  	s31 =	sadd.s32 $0xFFFFFFFF, s12;
	s15 =	sshrl.u32 @!p0 s11, $0x3  }
0x31: {  	s16 =	sand.u32 @!p0 $0x7, s11;
	s15 =	sadd.s32 @!p0 s4, s15;
	s14 =	sshrl.u32 @!p0 s14, $0x2  }
0x32: {  	[tilespmem:s14], [sflag:$0x2] =	stream.linear.gather @!p0 [hbm4b:s15+s16], $0x7D00, $0x38;
	[tilespmem:$0x1F400] =	vst v63  }
0x33: {  	p0 =	sge.u32 s31, s7  }
.Ltmp2:
0x34: {  	_ = 	snop;
	(pc) =	sbr.rel @p0 .LBB2_5-.Ltmp2, $1  }
0x35: {  	_ =	sdelay $0x3  }
0x36: {  	s14 =	sand.u32 $0x1, s12  }
0x37: {  	_ =	swait.ge [sflag:s6], $0x7D00;
	p0 =	seq.s32 s14, $0x1;
	s14 =	simm.s32 $0x7D00  }
0x38: {  	[sflag:s6] =	ssyncset.done $0x0;
	s14 =	simm.s32 @!p0 $0x0  }
0x39: {  	[sflag:s6] =	ssyncadd.s32 $0xFFFF8300;
	(ifvalue) =	ssetifvalue $0x7FFFFFFF;
	v0 =	vld.msk [tilespmem:s14+$0x0 ss:$0x1], $0xffff;
	_ =	sdelay $0x1  }
0x3a: {  	s15 =	sadd.s32 $0x10, s14  }
0x3b: {  	v1 =	vld.msk [tilespmem:s15+$0x0 ss:$0x1], $0xffff;
	s15 =	sadd.s32 $0x10, s15  }
0x3c: {  	v6 =	vld.msk [tilespmem:s15+$0x0 ss:$0x1], $0xffff  }
0x3d: {  	vm1 =	veq.s32 v0, $0x80000000;
	v2 =	vand.u32 $0x3F, v0  }
0x3e: {  	v3 =	vshrl.u32 v0, $0x6;
	v0 =	vshrl.u32 v0, $0x11;
	vm1 =	vmmov vm1  }
0x3f: {  	v3 =	vand.u32 $0x7FF, v3;
	v0 =	vand.u32 $0x7FF, v0;
	v2 =	vmul.u32 $0x122400, v2  }
0x40: {  	vm2 =	veq.s32 v1, $0x80000000;
	v7 =	vand.u32 $0x3F, v1;
	v3 =	vsel vm1, $0xFFFFFFFF, v3  }
0x41: {  	v0 =	vsel vm1, $0xFFFFFFFF, v0;
	v8 =	vand.u32 $0x3F, v6;
	v4 =	vshrl.u32 v3, $0x3  }
0x42: {  	v5 =	vand.u32 $0x7F, v0;
	v2 =	vsel vm1, $0xFD973800, v2;
	vm1 =	vmmov vm2  }
0x43: {  	v0 =	vshll.u32 v0, $0x3;
	v3 =	vshll.u32 v3, $0x7;
	v4 =	vmul.u32 $0x2400, v4  }
0x44: {  	v2 =	vor.u32 v2, v5;
	v0 =	vand.u32 $0xFFFFFC00, v0;
	v3 =	vand.u32 $0x380, v3  }
0x45: {  	v2 =	vadd.s32 v4, v2;
	v4 =	vshrl.u32 v1, $0x6;
	v1 =	vshrl.u32 v1, $0x11  }
0x46: {  	v0 =	vadd.s32 v0, v2;
	v2 =	vand.u32 $0x7FF, v4;
	v1 =	vand.u32 $0x7FF, v1  }
0x47: {  	v0 =	vor.u32 v3, v0;
	v2 =	vsel vm1, $0xFFFFFFFF, v2;
	v3 =	vmul.u32 $0x122400, v7  }
0x48: {  	vm2 =	veq.s32 v6, $0x80000000;
	v4 =	vsel vm1, $0xFFFFFFFF, v1;
	v1 =	vshrl.u32 v2, $0x3  }
0x49: {  	s15 =	sadd.s32 $0x10, s15;
	v5 =	vand.u32 $0x7F, v4;
	v3 =	vsel vm1, $0xFD973800, v3;
	v7 =	vmul.u32 $0x2400, v1  }
0x4a: {  	v4 =	vshll.u32 v4, $0x3;
	v2 =	vshll.u32 v2, $0x7;
	v1 =	vld.msk [tilespmem:s15+$0x0 ss:$0x1], $0xffff;
	v3 =	vor.u32 v3, v5  }
0x4b: {  	vm1 =	vmmov vm2;
	v4 =	vand.u32 $0xFFFFFC00, v4;
	v3 =	vadd.s32 v7, v3  }
0x4c: {  	s14 =	sadd.s32 $0xFA00, s14;
	(ifvalue) =	ssetifvalue $0x7FFFFFFF;
	v2 =	vand.u32 $0x380, v2;
	v5 =	vshrl.u32 v6, $0x6;
	v3 =	vadd.s32 v4, v3  }
0x4d: {  	[tilespmem:s14], [sflag:$0x1] =	stream.indirect_vreg.gather [hbm4b:s3+s10], $0x1, v0, vm0, $0x4038;
	v4 =	vand.u32 $0x7FF, v5;
	v5 =	vshrl.u32 v6, $0x11;
	v0 =	vor.u32 v2, v3;
	[tilespmem:$0x1F400] =	vst v63  }
0x4e: {  	v2 =	vsel vm1, $0xFFFFFFFF, v4;
	v3 =	vand.u32 $0x7FF, v5;
	v4 =	vmul.u32 $0x122400, v8  }
0x4f: {  	s16 =	simm.s32 $0x30;
	s17 =	sadd.s32 $0x10, s15;
	s15 =	smov.u32 s14;
	vm2 =	veq.s32 v1, $0x80000000;
	v3 =	vsel vm1, $0xFFFFFFFF, v3;
	v5 =	vshrl.u32 v2, $0x3  }
.LBB2_3:
0x50: {  	v7 =	vand.u32 $0x7F, v3  }
0x51: {  	v6 =	vld.msk [tilespmem:s17+$0x0 ss:$0x1], $0xffff;
	v4 =	vsel vm1, $0xFD973800, v4;
	v5 =	vmul.u32 $0x2400, v5;
	vm1 =	vmmov vm2;
	s16 =	sadd.s32 $0x10, s16  }
0x52: {  	v8 =	vand.u32 $0x3F, v1;
	v3 =	vshll.u32 v3, $0x3;
	s15 =	sadd.s32 $0x10, s15;
	v4 =	vor.u32 v4, v7;
	(ifvalue) =	ssetifvalue $0x7FFFFFFF;
	p0 =	slt.u32 s16, $0x7CF0  }
0x53: {  	[tilespmem:s15], [sflag:$0x1] =	stream.indirect_vreg.gather [hbm4b:s3+s10], $0x1, v0, vm0, $0x4038;
	[tilespmem:$0x1F400] =	vst v63  }
.Ltmp3:
0x54: {  	v2 =	vshll.u32 v2, $0x7;
	v3 =	vand.u32 $0xFFFFFC00, v3;
	v4 =	vadd.s32 v5, v4;
	(pc) =	sbr.rel @p0 .LBB2_3-.Ltmp3, $4  }
0x55: {  	v2 =	vand.u32 $0x380, v2;
	v0 =	vshrl.u32 v1, $0x6;
	v3 =	vadd.s32 v3, v4  }
0x56: {  	v9 =	vshrl.u32 v1, $0x11;
	v4 =	vand.u32 $0x7FF, v0;
	v0 =	vor.u32 v2, v3  }
0x57: {  	v7 =	vand.u32 $0x7FF, v9;
	v2 =	vsel vm1, $0xFFFFFFFF, v4;
	v4 =	vmul.u32 $0x122400, v8  }
0x58: {  	s17 =	sadd.s32 $0x10, s17;
	v3 =	vsel vm1, $0xFFFFFFFF, v7;
	vm2 =	veq.s32 v6, $0x80000000;
	v5 =	vshrl.u32 v2, $0x3;
	v1 =	vmovc v6  }
.Ltmp4:
0x59: {  	_ = 	snop;
	(pc) =	sbr.rel .LBB2_4-.Ltmp4, $1  }
0x5a: {  	_ =	sdelay $0x3  }
.LBB2_6:
0x5b: {  	_ =	sfence.sel $0x180000  }
0x5c: {  	s2 =	simm.s32 $0x2;
	[bflag:$0x0] =	sbarrier.arrive $0xFFFF  }
0x5d: {  	s30 =	simm.s32 $0x3;
	[sflag:s2] =	ssyncpa.u1 $0x1  }
0x5e: {  	s31 =	simm.s32 $0x1;
	[sflag:s30] =	ssyncpa.u1 $0x1  }
0x5f: {  	[sflag:s31] =	ssyncpa.u1 $0x1  }
0x60: {  	p0 =	sne.s32 s0, $0x0;
	_ =	strace $0x90000047  }
0x61: {  	s0 =	sadd.s32 @!p0 $0x100000, s1;
	[bflag:$0x2] =	sbarrier.arrive $0xFFFF  }
0x62: {  	[sflag:s0] =	ssyncadd.tile.s32 @!p0 $0x1;
	_ =	shalt  }
.Lfunc_end2:
_tile_overlayer_lowered:
.L_overlay_start_2:
0x63: {  	(tag) =	ssettag $0x2  }
0x64: {  	s0 =	rddreg [dreg:$0x0];
	s2 =	stileid.u32  }
0x65: {  	s1 =	rddreg [dreg:$0x1];
	p0 =	sne.s32 s2, $0x0  }
0x66: {  	s3 =	rddreg [dreg:$0x2];
	[bflag:$0x3] =	sbarrier.arrive $0xFFFF;
	s2 =	simm.s32 @!p0 $0x1C01  }
0x67: {  	[timem:s3], [sflag:s2] =	dma.local @!p0 [hbm:s0], s1  }
0x68: {  	s0 =	simm.s32 @!p0 $0x1  }
0x69: {  	_ =	swait.ge @!p0 [sflag:s0], s1  }
0x6a: {  	s1 =	ssub.s32 @!p0 $0x0, s1;
	[sflag:s0] =	ssyncset.done @!p0 $0x0  }
0x6b: {  	[sflag:s0] =	ssyncadd.s32 @!p0 s1  }
0x6c: {  	[bflag:$0x3] =	sbarrier.arrive $0xFFFF  }
0x6d: {  	_ =	shalt  }

</sc_bundles>
